<compile_context>
chip_gen: v7x
topology: tpu7x:2x2x1
jax: 0.10.2.dev20260603
libtpu: 0.0.44.dev20260713+nightly
codegen_flags: <defaults>
</compile_context>

<pallas_src>
import functools

import jax
import jax.numpy as jnp
from jax import lax
from jax.experimental import pallas as pl
from jax.experimental.pallas import tpu as pltpu
from jax.experimental.pallas import tpu_sc as plsc

VOCAB = 100000
EMBED_DIM = 128
B_TOTAL = 4096 * 200

NC = 2
NS = 16
NW = NC * NS
B_PER_W = B_TOTAL // NW
CHUNK = 128
PAIR = 2 * CHUNK
N_PAIRS = B_PER_W // PAIR
S = 2


def _make_gather():
    mesh = plsc.VectorSubcoreMesh(core_axis_name="c", subcore_axis_name="s")

    @functools.partial(
        pl.kernel,
        mesh=mesh,
        out_type=jax.ShapeDtypeStruct((B_TOTAL, EMBED_DIM), jnp.float32),
        scratch_types=[
            pltpu.VMEM((B_PER_W,), jnp.int32),
        ]
        + [pltpu.VMEM((PAIR, EMBED_DIM), jnp.float32) for _ in range(S)]
        + [pltpu.SemaphoreType.DMA for _ in range(2 * S)],
    )
    def k(table_hbm, idx_hbm, out_hbm, idx_v, *bufs_and_sems):
        rows = bufs_and_sems[:S]
        gsem = bufs_and_sems[S:2 * S]
        wsem = bufs_and_sems[2 * S:]
        wid = lax.axis_index("s") * NC + lax.axis_index("c")
        base = wid * B_PER_W

        pltpu.sync_copy(idx_hbm.at[pl.ds(base, B_PER_W)], idx_v)

        def g_descs(j, s):
            return [
                pltpu.make_async_copy(
                    table_hbm.at[idx_v.at[pl.ds(j * PAIR + h * CHUNK, CHUNK)]],
                    rows[s].at[pl.ds(h * CHUNK, CHUNK), :],
                    gsem[s],
                )
                for h in range(2)
            ]

        def w_desc(j, s):
            return pltpu.make_async_copy(
                rows[s], out_hbm.at[pl.ds(base + j * PAIR, PAIR)], wsem[s]
            )

        def step(i, s, first, prefetch):
            for d in g_descs(i, s):
                d.wait()
            w_desc(i, s).start()
            w_desc(i, s).wait()
            if prefetch:
                for d in g_descs(i + S, s):
                    d.start()

        for j in range(S):
            for d in g_descs(j, j):
                d.start()
        for i in range(S):
            step(i, i, True, True)

        def body(g, carry):
            i0 = g * S
            for b in range(S):
                step(i0 + b, b, False, True)
            return carry

        lax.fori_loop(1, N_PAIRS // S - 1, body, 0)

        for b in range(S):
            i = N_PAIRS - S + b
            step(i, b, False, False)

    return k


_gather = _make_gather()


def kernel(doc, W):
    idx = doc.reshape(-1).astype(jnp.int32)
    out = _gather(W, idx)
    return out.reshape(doc.shape[0], doc.shape[1], EMBED_DIM)

# --- scband reference (transcript-rebuilt; emitter-appended) ---
"""Pipeline reference for scband-embed-16260746182809 (READ-ONLY COPY).

The authoritative reference and input builder live on the scoring server;
editing this copy changes nothing except your own understanding.
"""

import jax, jax.numpy as jnp
import numpy as np

VOCAB = 100000
EMBED_DIM = 128
BATCH = 4096
HIST = 200

def setup_inputs(seed: int = 0) -> dict:
    key = jax.random.key(seed)
    k_idx, k_w = jax.random.split(key)
    doc = jax.random.randint(k_idx, (BATCH, HIST), 0, VOCAB, dtype=jnp.int64 if jax.config.jax_enable_x64 else jnp.int32)
    W = jax.random.normal(k_w, (VOCAB, EMBED_DIM), dtype=jnp.float32) * 0.02
    return {"doc": doc, "W": W}

def reference(doc, W):
    # nn.Embedding forward: gather rows of the embedding table
    out = jnp.take(W, doc, axis=0)  # [B, L, D]
    return out

if __name__ == "__main__":
    import jax
    _d = setup_inputs()
    print(jax.jit(kernel)(*tuple(_d.values())))

</pallas_src>

<mosaic_0001>
#map = affine_map<(d0, d1) -> (0, 0)>
#map1 = affine_map<(d0, d1) -> (0)>
module attributes {stable_mosaic.version = 14 : i64} {
  func.func @k(%arg0: i32, %arg1: i32, %arg2: memref<100000x128xf32, #tpu.memory_space<hbm>>, %arg3: memref<819200xi32, #tpu.memory_space<hbm>>, %arg4: memref<819200x128xf32, #tpu.memory_space<hbm>>, %arg5: memref<25600xi32, #tpu.memory_space<vmem>>, %arg6: memref<256x128xf32, #tpu.memory_space<vmem>>, %arg7: memref<256x128xf32, #tpu.memory_space<vmem>>, %arg8: memref<!tpu.dma_semaphore, #tpu.memory_space<semaphore_mem>>, %arg9: memref<!tpu.dma_semaphore, #tpu.memory_space<semaphore_mem>>, %arg10: memref<!tpu.dma_semaphore, #tpu.memory_space<semaphore_mem>>, %arg11: memref<!tpu.dma_semaphore, #tpu.memory_space<semaphore_mem>>) attributes {dimension_semantics = [#tpu.dimension_semantics<core_parallel>, #tpu.dimension_semantics<subcore_parallel>], iteration_bounds = array<i64: 2, 16>, scalar_prefetch = 0 : i64, scratch_operands = 7 : i64, tpu.core_type = #tpu.core_type<sc_vector_subcore>, window_params = [{transform_indices = #map}, {transform_indices = #map1}, {transform_indices = #map}]} {
    %mul3A = arith.constant 2 : i32
    %mul3A_0 = arith.muli %arg1, %mul3A : i32
    %add3A = arith.addi %mul3A_0, %arg0 : i32
    %mul3A_1 = arith.constant 25600 : i32
    %mul3A_2 = arith.muli %add3A, %mul3A_1 : i32
    "tpu.region"() ({
      %run_scoped3A = tpu.sem_alloc : memref<!tpu.dma_semaphore, #tpu.memory_space<semaphore_mem>>
      %dma_start3A_182 = tpu.memref_slice %arg3[%mul3A_2] : memref<819200xi32, #tpu.memory_space<hbm>> -> memref<25600xi32, #tpu.memory_space<hbm>>
      %dma_start3A_183 = tpu.memref_slice %arg3[%mul3A_2] : memref<819200xi32, #tpu.memory_space<hbm>> -> memref<25600xi32, #tpu.memory_space<hbm>>
      tpu.enqueue_dma source(%dma_start3A_183 : memref<25600xi32, #tpu.memory_space<hbm>>) target(%arg5 : memref<25600xi32, #tpu.memory_space<vmem>>) target_semaphore(%run_scoped3A : memref<!tpu.dma_semaphore, #tpu.memory_space<semaphore_mem>>)
      %dma_wait3A_184 = tpu.memref_slice %arg3[%mul3A_2] : memref<819200xi32, #tpu.memory_space<hbm>> -> memref<25600xi32, #tpu.memory_space<hbm>>
      %dma_wait3A_185 = tpu.memref_slice %arg3[%mul3A_2] : memref<819200xi32, #tpu.memory_space<hbm>> -> memref<25600xi32, #tpu.memory_space<hbm>>
      tpu.wait_dma2 semaphore(%run_scoped3A : memref<!tpu.dma_semaphore, #tpu.memory_space<semaphore_mem>>) src(%dma_wait3A_185 : memref<25600xi32, #tpu.memory_space<hbm>>) dst(%arg5 : memref<25600xi32, #tpu.memory_space<vmem>>)
      tpu.yield
    }) : () -> ()
    %dma_start3A = arith.constant 0 : i32
    %dma_start3A_3 = arith.constant 0 : i32
    %dma_start3A_4 = tpu.memref_slice %arg6[%dma_start3A, %dma_start3A_3] : memref<256x128xf32, #tpu.memory_space<vmem>> -> memref<128x128xf32, #tpu.memory_space<vmem>>
    %dma_start3A_5 = arith.constant 0 : i32
    %dma_start3A_6 = tpu.memref_slice %arg5[%dma_start3A_5] : memref<25600xi32, #tpu.memory_space<vmem>> -> memref<128xi32, #tpu.memory_space<vmem>>
    %dma_start3A_7 = arith.constant 0 : i32
    %dma_start3A_8 = arith.constant 0 : i32
    %dma_start3A_9 = tpu.memref_slice %arg2[%dma_start3A_7, %dma_start3A_8] : memref<100000x128xf32, #tpu.memory_space<hbm>> -> memref<100000x128xf32, #tpu.memory_space<hbm>>
    tpu.enqueue_indirect_dma source(%dma_start3A_9 : memref<100000x128xf32, #tpu.memory_space<hbm>>) target(%dma_start3A_4 : memref<128x128xf32, #tpu.memory_space<vmem>>) offsets(%dma_start3A_6 : memref<128xi32, #tpu.memory_space<vmem>>) semaphore(%arg8 : memref<!tpu.dma_semaphore, #tpu.memory_space<semaphore_mem>>)
    %dma_start3A_10 = arith.constant 128 : i32
    %dma_start3A_11 = arith.constant 0 : i32
    %dma_start3A_12 = tpu.memref_slice %arg6[%dma_start3A_10, %dma_start3A_11] : memref<256x128xf32, #tpu.memory_space<vmem>> -> memref<128x128xf32, #tpu.memory_space<vmem>>
    %dma_start3A_13 = arith.constant 128 : i32
    %dma_start3A_14 = tpu.memref_slice %arg5[%dma_start3A_13] : memref<25600xi32, #tpu.memory_space<vmem>> -> memref<128xi32, #tpu.memory_space<vmem>>
    %dma_start3A_15 = arith.constant 0 : i32
    %dma_start3A_16 = arith.constant 0 : i32
    %dma_start3A_17 = tpu.memref_slice %arg2[%dma_start3A_15, %dma_start3A_16] : memref<100000x128xf32, #tpu.memory_space<hbm>> -> memref<100000x128xf32, #tpu.memory_space<hbm>>
    tpu.enqueue_indirect_dma source(%dma_start3A_17 : memref<100000x128xf32, #tpu.memory_space<hbm>>) target(%dma_start3A_12 : memref<128x128xf32, #tpu.memory_space<vmem>>) offsets(%dma_start3A_14 : memref<128xi32, #tpu.memory_space<vmem>>) semaphore(%arg8 : memref<!tpu.dma_semaphore, #tpu.memory_space<semaphore_mem>>)
    %dma_start3A_18 = arith.constant 0 : i32
    %dma_start3A_19 = arith.constant 0 : i32
    %dma_start3A_20 = tpu.memref_slice %arg7[%dma_start3A_18, %dma_start3A_19] : memref<256x128xf32, #tpu.memory_space<vmem>> -> memref<128x128xf32, #tpu.memory_space<vmem>>
    %dma_start3A_21 = arith.constant 256 : i32
    %dma_start3A_22 = tpu.memref_slice %arg5[%dma_start3A_21] : memref<25600xi32, #tpu.memory_space<vmem>> -> memref<128xi32, #tpu.memory_space<vmem>>
    %dma_start3A_23 = arith.constant 0 : i32
    %dma_start3A_24 = arith.constant 0 : i32
    %dma_start3A_25 = tpu.memref_slice %arg2[%dma_start3A_23, %dma_start3A_24] : memref<100000x128xf32, #tpu.memory_space<hbm>> -> memref<100000x128xf32, #tpu.memory_space<hbm>>
    tpu.enqueue_indirect_dma source(%dma_start3A_25 : memref<100000x128xf32, #tpu.memory_space<hbm>>) target(%dma_start3A_20 : memref<128x128xf32, #tpu.memory_space<vmem>>) offsets(%dma_start3A_22 : memref<128xi32, #tpu.memory_space<vmem>>) semaphore(%arg9 : memref<!tpu.dma_semaphore, #tpu.memory_space<semaphore_mem>>)
    %dma_start3A_26 = arith.constant 128 : i32
    %dma_start3A_27 = arith.constant 0 : i32
    %dma_start3A_28 = tpu.memref_slice %arg7[%dma_start3A_26, %dma_start3A_27] : memref<256x128xf32, #tpu.memory_space<vmem>> -> memref<128x128xf32, #tpu.memory_space<vmem>>
    %dma_start3A_29 = arith.constant 384 : i32
    %dma_start3A_30 = tpu.memref_slice %arg5[%dma_start3A_29] : memref<25600xi32, #tpu.memory_space<vmem>> -> memref<128xi32, #tpu.memory_space<vmem>>
    %dma_start3A_31 = arith.constant 0 : i32
    %dma_start3A_32 = arith.constant 0 : i32
    %dma_start3A_33 = tpu.memref_slice %arg2[%dma_start3A_31, %dma_start3A_32] : memref<100000x128xf32, #tpu.memory_space<hbm>> -> memref<100000x128xf32, #tpu.memory_space<hbm>>
    tpu.enqueue_indirect_dma source(%dma_start3A_33 : memref<100000x128xf32, #tpu.memory_space<hbm>>) target(%dma_start3A_28 : memref<128x128xf32, #tpu.memory_space<vmem>>) offsets(%dma_start3A_30 : memref<128xi32, #tpu.memory_space<vmem>>) semaphore(%arg9 : memref<!tpu.dma_semaphore, #tpu.memory_space<semaphore_mem>>)
    %dma_wait3A = arith.constant 0 : i32
    %dma_wait3A_34 = arith.constant 0 : i32
    %dma_wait3A_35 = tpu.memref_slice %arg6[%dma_wait3A, %dma_wait3A_34] : memref<256x128xf32, #tpu.memory_space<vmem>> -> memref<128x128xf32, #tpu.memory_space<vmem>>
    %dma_wait3A_36 = arith.constant 0 : i32
    %dma_wait3A_37 = tpu.memref_slice %arg5[%dma_wait3A_36] : memref<25600xi32, #tpu.memory_space<vmem>> -> memref<128xi32, #tpu.memory_space<vmem>>
    %dma_wait3A_38 = arith.constant 0 : i32
    %dma_wait3A_39 = arith.constant 0 : i32
    %dma_wait3A_40 = tpu.memref_slice %arg2[%dma_wait3A_38, %dma_wait3A_39] : memref<100000x128xf32, #tpu.memory_space<hbm>> -> memref<100000x128xf32, #tpu.memory_space<hbm>>
    tpu.wait_indirect_dma semaphore(%arg8 : memref<!tpu.dma_semaphore, #tpu.memory_space<semaphore_mem>>) src(%dma_wait3A_40 : memref<100000x128xf32, #tpu.memory_space<hbm>>) dst(%dma_wait3A_35 : memref<128x128xf32, #tpu.memory_space<vmem>>)
    %dma_wait3A_41 = arith.constant 128 : i32
    %dma_wait3A_42 = arith.constant 0 : i32
    %dma_wait3A_43 = tpu.memref_slice %arg6[%dma_wait3A_41, %dma_wait3A_42] : memref<256x128xf32, #tpu.memory_space<vmem>> -> memref<128x128xf32, #tpu.memory_space<vmem>>
    %dma_wait3A_44 = arith.constant 128 : i32
    %dma_wait3A_45 = tpu.memref_slice %arg5[%dma_wait3A_44] : memref<25600xi32, #tpu.memory_space<vmem>> -> memref<128xi32, #tpu.memory_space<vmem>>
    %dma_wait3A_46 = arith.constant 0 : i32
    %dma_wait3A_47 = arith.constant 0 : i32
    %dma_wait3A_48 = tpu.memref_slice %arg2[%dma_wait3A_46, %dma_wait3A_47] : memref<100000x128xf32, #tpu.memory_space<hbm>> -> memref<100000x128xf32, #tpu.memory_space<hbm>>
    tpu.wait_indirect_dma semaphore(%arg8 : memref<!tpu.dma_semaphore, #tpu.memory_space<semaphore_mem>>) src(%dma_wait3A_48 : memref<100000x128xf32, #tpu.memory_space<hbm>>) dst(%dma_wait3A_43 : memref<128x128xf32, #tpu.memory_space<vmem>>)
    %add3A_49 = arith.constant 0 : i32
    %add3A_50 = arith.addi %mul3A_2, %add3A_49 : i32
    %dma_start3A_51 = arith.constant 0 : i32
    %dma_start3A_52 = tpu.memref_slice %arg4[%add3A_50, %dma_start3A_51] : memref<819200x128xf32, #tpu.memory_space<hbm>> -> memref<256x128xf32, #tpu.memory_space<hbm>>
    %dma_start3A_53 = arith.constant 0 : i32
    %dma_start3A_54 = tpu.memref_slice %arg4[%add3A_50, %dma_start3A_53] : memref<819200x128xf32, #tpu.memory_space<hbm>> -> memref<256x128xf32, #tpu.memory_space<hbm>>
    tpu.enqueue_dma source(%arg6 : memref<256x128xf32, #tpu.memory_space<vmem>>) target(%dma_start3A_54 : memref<256x128xf32, #tpu.memory_space<hbm>>) target_semaphore(%arg10 : memref<!tpu.dma_semaphore, #tpu.memory_space<semaphore_mem>>)
    %add3A_55 = arith.constant 0 : i32
    %add3A_56 = arith.addi %mul3A_2, %add3A_55 : i32
    %dma_wait3A_57 = arith.constant 0 : i32
    %dma_wait3A_58 = tpu.memref_slice %arg4[%add3A_56, %dma_wait3A_57] : memref<819200x128xf32, #tpu.memory_space<hbm>> -> memref<256x128xf32, #tpu.memory_space<hbm>>
    %dma_wait3A_59 = arith.constant 0 : i32
    %dma_wait3A_60 = tpu.memref_slice %arg4[%add3A_56, %dma_wait3A_59] : memref<819200x128xf32, #tpu.memory_space<hbm>> -> memref<256x128xf32, #tpu.memory_space<hbm>>
    tpu.wait_dma2 semaphore(%arg10 : memref<!tpu.dma_semaphore, #tpu.memory_space<semaphore_mem>>) src(%arg6 : memref<256x128xf32, #tpu.memory_space<vmem>>) dst(%dma_wait3A_60 : memref<256x128xf32, #tpu.memory_space<hbm>>)
    %dma_start3A_61 = arith.constant 0 : i32
    %dma_start3A_62 = arith.constant 0 : i32
    %dma_start3A_63 = tpu.memref_slice %arg6[%dma_start3A_61, %dma_start3A_62] : memref<256x128xf32, #tpu.memory_space<vmem>> -> memref<128x128xf32, #tpu.memory_space<vmem>>
    %dma_start3A_64 = arith.constant 512 : i32
    %dma_start3A_65 = tpu.memref_slice %arg5[%dma_start3A_64] : memref<25600xi32, #tpu.memory_space<vmem>> -> memref<128xi32, #tpu.memory_space<vmem>>
    %dma_start3A_66 = arith.constant 0 : i32
    %dma_start3A_67 = arith.constant 0 : i32
    %dma_start3A_68 = tpu.memref_slice %arg2[%dma_start3A_66, %dma_start3A_67] : memref<100000x128xf32, #tpu.memory_space<hbm>> -> memref<100000x128xf32, #tpu.memory_space<hbm>>
    tpu.enqueue_indirect_dma source(%dma_start3A_68 : memref<100000x128xf32, #tpu.memory_space<hbm>>) target(%dma_start3A_63 : memref<128x128xf32, #tpu.memory_space<vmem>>) offsets(%dma_start3A_65 : memref<128xi32, #tpu.memory_space<vmem>>) semaphore(%arg8 : memref<!tpu.dma_semaphore, #tpu.memory_space<semaphore_mem>>)
    %dma_start3A_69 = arith.constant 128 : i32
    %dma_start3A_70 = arith.constant 0 : i32
    %dma_start3A_71 = tpu.memref_slice %arg6[%dma_start3A_69, %dma_start3A_70] : memref<256x128xf32, #tpu.memory_space<vmem>> -> memref<128x128xf32, #tpu.memory_space<vmem>>
    %dma_start3A_72 = arith.constant 640 : i32
    %dma_start3A_73 = tpu.memref_slice %arg5[%dma_start3A_72] : memref<25600xi32, #tpu.memory_space<vmem>> -> memref<128xi32, #tpu.memory_space<vmem>>
    %dma_start3A_74 = arith.constant 0 : i32
    %dma_start3A_75 = arith.constant 0 : i32
    %dma_start3A_76 = tpu.memref_slice %arg2[%dma_start3A_74, %dma_start3A_75] : memref<100000x128xf32, #tpu.memory_space<hbm>> -> memref<100000x128xf32, #tpu.memory_space<hbm>>
    tpu.enqueue_indirect_dma source(%dma_start3A_76 : memref<100000x128xf32, #tpu.memory_space<hbm>>) target(%dma_start3A_71 : memref<128x128xf32, #tpu.memory_space<vmem>>) offsets(%dma_start3A_73 : memref<128xi32, #tpu.memory_space<vmem>>) semaphore(%arg8 : memref<!tpu.dma_semaphore, #tpu.memory_space<semaphore_mem>>)
    %dma_wait3A_77 = arith.constant 0 : i32
    %dma_wait3A_78 = arith.constant 0 : i32
    %dma_wait3A_79 = tpu.memref_slice %arg7[%dma_wait3A_77, %dma_wait3A_78] : memref<256x128xf32, #tpu.memory_space<vmem>> -> memref<128x128xf32, #tpu.memory_space<vmem>>
    %dma_wait3A_80 = arith.constant 256 : i32
    %dma_wait3A_81 = tpu.memref_slice %arg5[%dma_wait3A_80] : memref<25600xi32, #tpu.memory_space<vmem>> -> memref<128xi32, #tpu.memory_space<vmem>>
    %dma_wait3A_82 = arith.constant 0 : i32
    %dma_wait3A_83 = arith.constant 0 : i32
    %dma_wait3A_84 = tpu.memref_slice %arg2[%dma_wait3A_82, %dma_wait3A_83] : memref<100000x128xf32, #tpu.memory_space<hbm>> -> memref<100000x128xf32, #tpu.memory_space<hbm>>
    tpu.wait_indirect_dma semaphore(%arg9 : memref<!tpu.dma_semaphore, #tpu.memory_space<semaphore_mem>>) src(%dma_wait3A_84 : memref<100000x128xf32, #tpu.memory_space<hbm>>) dst(%dma_wait3A_79 : memref<128x128xf32, #tpu.memory_space<vmem>>)
    %dma_wait3A_85 = arith.constant 128 : i32
    %dma_wait3A_86 = arith.constant 0 : i32
    %dma_wait3A_87 = tpu.memref_slice %arg7[%dma_wait3A_85, %dma_wait3A_86] : memref<256x128xf32, #tpu.memory_space<vmem>> -> memref<128x128xf32, #tpu.memory_space<vmem>>
    %dma_wait3A_88 = arith.constant 384 : i32
    %dma_wait3A_89 = tpu.memref_slice %arg5[%dma_wait3A_88] : memref<25600xi32, #tpu.memory_space<vmem>> -> memref<128xi32, #tpu.memory_space<vmem>>
    %dma_wait3A_90 = arith.constant 0 : i32
    %dma_wait3A_91 = arith.constant 0 : i32
    %dma_wait3A_92 = tpu.memref_slice %arg2[%dma_wait3A_90, %dma_wait3A_91] : memref<100000x128xf32, #tpu.memory_space<hbm>> -> memref<100000x128xf32, #tpu.memory_space<hbm>>
    tpu.wait_indirect_dma semaphore(%arg9 : memref<!tpu.dma_semaphore, #tpu.memory_space<semaphore_mem>>) src(%dma_wait3A_92 : memref<100000x128xf32, #tpu.memory_space<hbm>>) dst(%dma_wait3A_87 : memref<128x128xf32, #tpu.memory_space<vmem>>)
    %add3A_93 = arith.constant 256 : i32
    %add3A_94 = arith.addi %mul3A_2, %add3A_93 : i32
    %dma_start3A_95 = arith.constant 0 : i32
    %dma_start3A_96 = tpu.memref_slice %arg4[%add3A_94, %dma_start3A_95] : memref<819200x128xf32, #tpu.memory_space<hbm>> -> memref<256x128xf32, #tpu.memory_space<hbm>>
    %dma_start3A_97 = arith.constant 0 : i32
    %dma_start3A_98 = tpu.memref_slice %arg4[%add3A_94, %dma_start3A_97] : memref<819200x128xf32, #tpu.memory_space<hbm>> -> memref<256x128xf32, #tpu.memory_space<hbm>>
    tpu.enqueue_dma source(%arg7 : memref<256x128xf32, #tpu.memory_space<vmem>>) target(%dma_start3A_98 : memref<256x128xf32, #tpu.memory_space<hbm>>) target_semaphore(%arg11 : memref<!tpu.dma_semaphore, #tpu.memory_space<semaphore_mem>>)
    %add3A_99 = arith.constant 256 : i32
    %add3A_100 = arith.addi %mul3A_2, %add3A_99 : i32
    %dma_wait3A_101 = arith.constant 0 : i32
    %dma_wait3A_102 = tpu.memref_slice %arg4[%add3A_100, %dma_wait3A_101] : memref<819200x128xf32, #tpu.memory_space<hbm>> -> memref<256x128xf32, #tpu.memory_space<hbm>>
    %dma_wait3A_103 = arith.constant 0 : i32
    %dma_wait3A_104 = tpu.memref_slice %arg4[%add3A_100, %dma_wait3A_103] : memref<819200x128xf32, #tpu.memory_space<hbm>> -> memref<256x128xf32, #tpu.memory_space<hbm>>
    tpu.wait_dma2 semaphore(%arg11 : memref<!tpu.dma_semaphore, #tpu.memory_space<semaphore_mem>>) src(%arg7 : memref<256x128xf32, #tpu.memory_space<vmem>>) dst(%dma_wait3A_104 : memref<256x128xf32, #tpu.memory_space<hbm>>)
    %dma_start3A_105 = arith.constant 0 : i32
    %dma_start3A_106 = arith.constant 0 : i32
    %dma_start3A_107 = tpu.memref_slice %arg7[%dma_start3A_105, %dma_start3A_106] : memref<256x128xf32, #tpu.memory_space<vmem>> -> memref<128x128xf32, #tpu.memory_space<vmem>>
    %dma_start3A_108 = arith.constant 768 : i32
    %dma_start3A_109 = tpu.memref_slice %arg5[%dma_start3A_108] : memref<25600xi32, #tpu.memory_space<vmem>> -> memref<128xi32, #tpu.memory_space<vmem>>
    %dma_start3A_110 = arith.constant 0 : i32
    %dma_start3A_111 = arith.constant 0 : i32
    %dma_start3A_112 = tpu.memref_slice %arg2[%dma_start3A_110, %dma_start3A_111] : memref<100000x128xf32, #tpu.memory_space<hbm>> -> memref<100000x128xf32, #tpu.memory_space<hbm>>
    tpu.enqueue_indirect_dma source(%dma_start3A_112 : memref<100000x128xf32, #tpu.memory_space<hbm>>) target(%dma_start3A_107 : memref<128x128xf32, #tpu.memory_space<vmem>>) offsets(%dma_start3A_109 : memref<128xi32, #tpu.memory_space<vmem>>) semaphore(%arg9 : memref<!tpu.dma_semaphore, #tpu.memory_space<semaphore_mem>>)
    %dma_start3A_113 = arith.constant 128 : i32
    %dma_start3A_114 = arith.constant 0 : i32
    %dma_start3A_115 = tpu.memref_slice %arg7[%dma_start3A_113, %dma_start3A_114] : memref<256x128xf32, #tpu.memory_space<vmem>> -> memref<128x128xf32, #tpu.memory_space<vmem>>
    %dma_start3A_116 = arith.constant 896 : i32
    %dma_start3A_117 = tpu.memref_slice %arg5[%dma_start3A_116] : memref<25600xi32, #tpu.memory_space<vmem>> -> memref<128xi32, #tpu.memory_space<vmem>>
    %dma_start3A_118 = arith.constant 0 : i32
    %dma_start3A_119 = arith.constant 0 : i32
    %dma_start3A_120 = tpu.memref_slice %arg2[%dma_start3A_118, %dma_start3A_119] : memref<100000x128xf32, #tpu.memory_space<hbm>> -> memref<100000x128xf32, #tpu.memory_space<hbm>>
    tpu.enqueue_indirect_dma source(%dma_start3A_120 : memref<100000x128xf32, #tpu.memory_space<hbm>>) target(%dma_start3A_115 : memref<128x128xf32, #tpu.memory_space<vmem>>) offsets(%dma_start3A_117 : memref<128xi32, #tpu.memory_space<vmem>>) semaphore(%arg9 : memref<!tpu.dma_semaphore, #tpu.memory_space<semaphore_mem>>)
    %scan3A = arith.constant 0 : i32
    %scan3A_121 = arith.constant 1 : i32
    %scan3A_122 = arith.constant 48 : i32
    %scan3A_123 = arith.addi %scan3A_121, %scan3A_122 : i32
    %scan3A_124 = arith.constant 1 : i32
    scf.for %scan3A_182 = %scan3A_121 to %scan3A_123 step %scan3A_124  : i32 {
      %mul3A_183 = arith.constant 2 : i32
      %mul3A_184 = arith.muli %scan3A_182, %mul3A_183 : i32
      %add3A_185 = arith.constant 0 : i32
      %add3A_186 = arith.addi %mul3A_184, %add3A_185 : i32
      %mul3A_187 = arith.constant 256 : i32
      %mul3A_188 = arith.muli %add3A_186, %mul3A_187 : i32
      %add3A_189 = arith.constant 0 : i32
      %add3A_190 = arith.addi %mul3A_188, %add3A_189 : i32
      %mul3A_191 = arith.constant 256 : i32
      %mul3A_192 = arith.muli %add3A_186, %mul3A_191 : i32
      %add3A_193 = arith.constant 128 : i32
      %add3A_194 = arith.addi %mul3A_192, %add3A_193 : i32
      %dma_wait3A_195 = arith.constant 0 : i32
      %dma_wait3A_196 = arith.constant 0 : i32
      %dma_wait3A_197 = tpu.memref_slice %arg6[%dma_wait3A_195, %dma_wait3A_196] : memref<256x128xf32, #tpu.memory_space<vmem>> -> memref<128x128xf32, #tpu.memory_space<vmem>>
      %dma_wait3A_198 = tpu.memref_slice %arg5[%add3A_190] : memref<25600xi32, #tpu.memory_space<vmem>> -> memref<128xi32, #tpu.memory_space<vmem>>
      %dma_wait3A_199 = arith.constant 0 : i32
      %dma_wait3A_200 = arith.constant 0 : i32
      %dma_wait3A_201 = tpu.memref_slice %arg2[%dma_wait3A_199, %dma_wait3A_200] : memref<100000x128xf32, #tpu.memory_space<hbm>> -> memref<100000x128xf32, #tpu.memory_space<hbm>>
      tpu.wait_indirect_dma semaphore(%arg8 : memref<!tpu.dma_semaphore, #tpu.memory_space<semaphore_mem>>) src(%dma_wait3A_201 : memref<100000x128xf32, #tpu.memory_space<hbm>>) dst(%dma_wait3A_197 : memref<128x128xf32, #tpu.memory_space<vmem>>)
      %dma_wait3A_202 = arith.constant 128 : i32
      %dma_wait3A_203 = arith.constant 0 : i32
      %dma_wait3A_204 = tpu.memref_slice %arg6[%dma_wait3A_202, %dma_wait3A_203] : memref<256x128xf32, #tpu.memory_space<vmem>> -> memref<128x128xf32, #tpu.memory_space<vmem>>
      %dma_wait3A_205 = tpu.memref_slice %arg5[%add3A_194] : memref<25600xi32, #tpu.memory_space<vmem>> -> memref<128xi32, #tpu.memory_space<vmem>>
      %dma_wait3A_206 = arith.constant 0 : i32
      %dma_wait3A_207 = arith.constant 0 : i32
      %dma_wait3A_208 = tpu.memref_slice %arg2[%dma_wait3A_206, %dma_wait3A_207] : memref<100000x128xf32, #tpu.memory_space<hbm>> -> memref<100000x128xf32, #tpu.memory_space<hbm>>
      tpu.wait_indirect_dma semaphore(%arg8 : memref<!tpu.dma_semaphore, #tpu.memory_space<semaphore_mem>>) src(%dma_wait3A_208 : memref<100000x128xf32, #tpu.memory_space<hbm>>) dst(%dma_wait3A_204 : memref<128x128xf32, #tpu.memory_space<vmem>>)
      %mul3A_209 = arith.constant 256 : i32
      %mul3A_210 = arith.muli %add3A_186, %mul3A_209 : i32
      %add3A_211 = arith.addi %mul3A_2, %mul3A_210 : i32
      %dma_start3A_212 = arith.constant 0 : i32
      %dma_start3A_213 = tpu.memref_slice %arg4[%add3A_211, %dma_start3A_212] : memref<819200x128xf32, #tpu.memory_space<hbm>> -> memref<256x128xf32, #tpu.memory_space<hbm>>
      %dma_start3A_214 = arith.constant 0 : i32
      %dma_start3A_215 = tpu.memref_slice %arg4[%add3A_211, %dma_start3A_214] : memref<819200x128xf32, #tpu.memory_space<hbm>> -> memref<256x128xf32, #tpu.memory_space<hbm>>
      tpu.enqueue_dma source(%arg6 : memref<256x128xf32, #tpu.memory_space<vmem>>) target(%dma_start3A_215 : memref<256x128xf32, #tpu.memory_space<hbm>>) target_semaphore(%arg10 : memref<!tpu.dma_semaphore, #tpu.memory_space<semaphore_mem>>)
      %mul3A_216 = arith.constant 256 : i32
      %mul3A_217 = arith.muli %add3A_186, %mul3A_216 : i32
      %add3A_218 = arith.addi %mul3A_2, %mul3A_217 : i32
      %dma_wait3A_219 = arith.constant 0 : i32
      %dma_wait3A_220 = tpu.memref_slice %arg4[%add3A_218, %dma_wait3A_219] : memref<819200x128xf32, #tpu.memory_space<hbm>> -> memref<256x128xf32, #tpu.memory_space<hbm>>
      %dma_wait3A_221 = arith.constant 0 : i32
      %dma_wait3A_222 = tpu.memref_slice %arg4[%add3A_218, %dma_wait3A_221] : memref<819200x128xf32, #tpu.memory_space<hbm>> -> memref<256x128xf32, #tpu.memory_space<hbm>>
      tpu.wait_dma2 semaphore(%arg10 : memref<!tpu.dma_semaphore, #tpu.memory_space<semaphore_mem>>) src(%arg6 : memref<256x128xf32, #tpu.memory_space<vmem>>) dst(%dma_wait3A_222 : memref<256x128xf32, #tpu.memory_space<hbm>>)
      %add3A_223 = arith.constant 2 : i32
      %add3A_224 = arith.addi %add3A_186, %add3A_223 : i32
      %mul3A_225 = arith.constant 256 : i32
      %mul3A_226 = arith.muli %add3A_224, %mul3A_225 : i32
      %add3A_227 = arith.constant 0 : i32
      %add3A_228 = arith.addi %mul3A_226, %add3A_227 : i32
      %mul3A_229 = arith.constant 256 : i32
      %mul3A_230 = arith.muli %add3A_224, %mul3A_229 : i32
      %add3A_231 = arith.constant 128 : i32
      %add3A_232 = arith.addi %mul3A_230, %add3A_231 : i32
      %dma_start3A_233 = arith.constant 0 : i32
      %dma_start3A_234 = arith.constant 0 : i32
      %dma_start3A_235 = tpu.memref_slice %arg6[%dma_start3A_233, %dma_start3A_234] : memref<256x128xf32, #tpu.memory_space<vmem>> -> memref<128x128xf32, #tpu.memory_space<vmem>>
      %dma_start3A_236 = tpu.memref_slice %arg5[%add3A_228] : memref<25600xi32, #tpu.memory_space<vmem>> -> memref<128xi32, #tpu.memory_space<vmem>>
      %dma_start3A_237 = arith.constant 0 : i32
      %dma_start3A_238 = arith.constant 0 : i32
      %dma_start3A_239 = tpu.memref_slice %arg2[%dma_start3A_237, %dma_start3A_238] : memref<100000x128xf32, #tpu.memory_space<hbm>> -> memref<100000x128xf32, #tpu.memory_space<hbm>>
      tpu.enqueue_indirect_dma source(%dma_start3A_239 : memref<100000x128xf32, #tpu.memory_space<hbm>>) target(%dma_start3A_235 : memref<128x128xf32, #tpu.memory_space<vmem>>) offsets(%dma_start3A_236 : memref<128xi32, #tpu.memory_space<vmem>>) semaphore(%arg8 : memref<!tpu.dma_semaphore, #tpu.memory_space<semaphore_mem>>)
      %dma_start3A_240 = arith.constant 128 : i32
      %dma_start3A_241 = arith.constant 0 : i32
      %dma_start3A_242 = tpu.memref_slice %arg6[%dma_start3A_240, %dma_start3A_241] : memref<256x128xf32, #tpu.memory_space<vmem>> -> memref<128x128xf32, #tpu.memory_space<vmem>>
      %dma_start3A_243 = tpu.memref_slice %arg5[%add3A_232] : memref<25600xi32, #tpu.memory_space<vmem>> -> memref<128xi32, #tpu.memory_space<vmem>>
      %dma_start3A_244 = arith.constant 0 : i32
      %dma_start3A_245 = arith.constant 0 : i32
      %dma_start3A_246 = tpu.memref_slice %arg2[%dma_start3A_244, %dma_start3A_245] : memref<100000x128xf32, #tpu.memory_space<hbm>> -> memref<100000x128xf32, #tpu.memory_space<hbm>>
      tpu.enqueue_indirect_dma source(%dma_start3A_246 : memref<100000x128xf32, #tpu.memory_space<hbm>>) target(%dma_start3A_242 : memref<128x128xf32, #tpu.memory_space<vmem>>) offsets(%dma_start3A_243 : memref<128xi32, #tpu.memory_space<vmem>>) semaphore(%arg8 : memref<!tpu.dma_semaphore, #tpu.memory_space<semaphore_mem>>)
      %add3A_247 = arith.constant 1 : i32
      %add3A_248 = arith.addi %mul3A_184, %add3A_247 : i32
      %mul3A_249 = arith.constant 256 : i32
      %mul3A_250 = arith.muli %add3A_248, %mul3A_249 : i32
      %add3A_251 = arith.constant 0 : i32
      %add3A_252 = arith.addi %mul3A_250, %add3A_251 : i32
      %mul3A_253 = arith.constant 256 : i32
      %mul3A_254 = arith.muli %add3A_248, %mul3A_253 : i32
      %add3A_255 = arith.constant 128 : i32
      %add3A_256 = arith.addi %mul3A_254, %add3A_255 : i32
      %dma_wait3A_257 = arith.constant 0 : i32
      %dma_wait3A_258 = arith.constant 0 : i32
      %dma_wait3A_259 = tpu.memref_slice %arg7[%dma_wait3A_257, %dma_wait3A_258] : memref<256x128xf32, #tpu.memory_space<vmem>> -> memref<128x128xf32, #tpu.memory_space<vmem>>
      %dma_wait3A_260 = tpu.memref_slice %arg5[%add3A_252] : memref<25600xi32, #tpu.memory_space<vmem>> -> memref<128xi32, #tpu.memory_space<vmem>>
      %dma_wait3A_261 = arith.constant 0 : i32
      %dma_wait3A_262 = arith.constant 0 : i32
      %dma_wait3A_263 = tpu.memref_slice %arg2[%dma_wait3A_261, %dma_wait3A_262] : memref<100000x128xf32, #tpu.memory_space<hbm>> -> memref<100000x128xf32, #tpu.memory_space<hbm>>
      tpu.wait_indirect_dma semaphore(%arg9 : memref<!tpu.dma_semaphore, #tpu.memory_space<semaphore_mem>>) src(%dma_wait3A_263 : memref<100000x128xf32, #tpu.memory_space<hbm>>) dst(%dma_wait3A_259 : memref<128x128xf32, #tpu.memory_space<vmem>>)
      %dma_wait3A_264 = arith.constant 128 : i32
      %dma_wait3A_265 = arith.constant 0 : i32
      %dma_wait3A_266 = tpu.memref_slice %arg7[%dma_wait3A_264, %dma_wait3A_265] : memref<256x128xf32, #tpu.memory_space<vmem>> -> memref<128x128xf32, #tpu.memory_space<vmem>>
      %dma_wait3A_267 = tpu.memref_slice %arg5[%add3A_256] : memref<25600xi32, #tpu.memory_space<vmem>> -> memref<128xi32, #tpu.memory_space<vmem>>
      %dma_wait3A_268 = arith.constant 0 : i32
      %dma_wait3A_269 = arith.constant 0 : i32
      %dma_wait3A_270 = tpu.memref_slice %arg2[%dma_wait3A_268, %dma_wait3A_269] : memref<100000x128xf32, #tpu.memory_space<hbm>> -> memref<100000x128xf32, #tpu.memory_space<hbm>>
      tpu.wait_indirect_dma semaphore(%arg9 : memref<!tpu.dma_semaphore, #tpu.memory_space<semaphore_mem>>) src(%dma_wait3A_270 : memref<100000x128xf32, #tpu.memory_space<hbm>>) dst(%dma_wait3A_266 : memref<128x128xf32, #tpu.memory_space<vmem>>)
      %mul3A_271 = arith.constant 256 : i32
      %mul3A_272 = arith.muli %add3A_248, %mul3A_271 : i32
      %add3A_273 = arith.addi %mul3A_2, %mul3A_272 : i32
      %dma_start3A_274 = arith.constant 0 : i32
      %dma_start3A_275 = tpu.memref_slice %arg4[%add3A_273, %dma_start3A_274] : memref<819200x128xf32, #tpu.memory_space<hbm>> -> memref<256x128xf32, #tpu.memory_space<hbm>>
      %dma_start3A_276 = arith.constant 0 : i32
      %dma_start3A_277 = tpu.memref_slice %arg4[%add3A_273, %dma_start3A_276] : memref<819200x128xf32, #tpu.memory_space<hbm>> -> memref<256x128xf32, #tpu.memory_space<hbm>>
      tpu.enqueue_dma source(%arg7 : memref<256x128xf32, #tpu.memory_space<vmem>>) target(%dma_start3A_277 : memref<256x128xf32, #tpu.memory_space<hbm>>) target_semaphore(%arg11 : memref<!tpu.dma_semaphore, #tpu.memory_space<semaphore_mem>>)
      %mul3A_278 = arith.constant 256 : i32
      %mul3A_279 = arith.muli %add3A_248, %mul3A_278 : i32
      %add3A_280 = arith.addi %mul3A_2, %mul3A_279 : i32
      %dma_wait3A_281 = arith.constant 0 : i32
      %dma_wait3A_282 = tpu.memref_slice %arg4[%add3A_280, %dma_wait3A_281] : memref<819200x128xf32, #tpu.memory_space<hbm>> -> memref<256x128xf32, #tpu.memory_space<hbm>>
      %dma_wait3A_283 = arith.constant 0 : i32
      %dma_wait3A_284 = tpu.memref_slice %arg4[%add3A_280, %dma_wait3A_283] : memref<819200x128xf32, #tpu.memory_space<hbm>> -> memref<256x128xf32, #tpu.memory_space<hbm>>
      tpu.wait_dma2 semaphore(%arg11 : memref<!tpu.dma_semaphore, #tpu.memory_space<semaphore_mem>>) src(%arg7 : memref<256x128xf32, #tpu.memory_space<vmem>>) dst(%dma_wait3A_284 : memref<256x128xf32, #tpu.memory_space<hbm>>)
      %add3A_285 = arith.constant 2 : i32
      %add3A_286 = arith.addi %add3A_248, %add3A_285 : i32
      %mul3A_287 = arith.constant 256 : i32
      %mul3A_288 = arith.muli %add3A_286, %mul3A_287 : i32
      %add3A_289 = arith.constant 0 : i32
      %add3A_290 = arith.addi %mul3A_288, %add3A_289 : i32
      %mul3A_291 = arith.constant 256 : i32
      %mul3A_292 = arith.muli %add3A_286, %mul3A_291 : i32
      %add3A_293 = arith.constant 128 : i32
      %add3A_294 = arith.addi %mul3A_292, %add3A_293 : i32
      %dma_start3A_295 = arith.constant 0 : i32
      %dma_start3A_296 = arith.constant 0 : i32
      %dma_start3A_297 = tpu.memref_slice %arg7[%dma_start3A_295, %dma_start3A_296] : memref<256x128xf32, #tpu.memory_space<vmem>> -> memref<128x128xf32, #tpu.memory_space<vmem>>
      %dma_start3A_298 = tpu.memref_slice %arg5[%add3A_290] : memref<25600xi32, #tpu.memory_space<vmem>> -> memref<128xi32, #tpu.memory_space<vmem>>
      %dma_start3A_299 = arith.constant 0 : i32
      %dma_start3A_300 = arith.constant 0 : i32
      %dma_start3A_301 = tpu.memref_slice %arg2[%dma_start3A_299, %dma_start3A_300] : memref<100000x128xf32, #tpu.memory_space<hbm>> -> memref<100000x128xf32, #tpu.memory_space<hbm>>
      tpu.enqueue_indirect_dma source(%dma_start3A_301 : memref<100000x128xf32, #tpu.memory_space<hbm>>) target(%dma_start3A_297 : memref<128x128xf32, #tpu.memory_space<vmem>>) offsets(%dma_start3A_298 : memref<128xi32, #tpu.memory_space<vmem>>) semaphore(%arg9 : memref<!tpu.dma_semaphore, #tpu.memory_space<semaphore_mem>>)
      %dma_start3A_302 = arith.constant 128 : i32
      %dma_start3A_303 = arith.constant 0 : i32
      %dma_start3A_304 = tpu.memref_slice %arg7[%dma_start3A_302, %dma_start3A_303] : memref<256x128xf32, #tpu.memory_space<vmem>> -> memref<128x128xf32, #tpu.memory_space<vmem>>
      %dma_start3A_305 = tpu.memref_slice %arg5[%add3A_294] : memref<25600xi32, #tpu.memory_space<vmem>> -> memref<128xi32, #tpu.memory_space<vmem>>
      %dma_start3A_306 = arith.constant 0 : i32
      %dma_start3A_307 = arith.constant 0 : i32
      %dma_start3A_308 = tpu.memref_slice %arg2[%dma_start3A_306, %dma_start3A_307] : memref<100000x128xf32, #tpu.memory_space<hbm>> -> memref<100000x128xf32, #tpu.memory_space<hbm>>
      tpu.enqueue_indirect_dma source(%dma_start3A_308 : memref<100000x128xf32, #tpu.memory_space<hbm>>) target(%dma_start3A_304 : memref<128x128xf32, #tpu.memory_space<vmem>>) offsets(%dma_start3A_305 : memref<128xi32, #tpu.memory_space<vmem>>) semaphore(%arg9 : memref<!tpu.dma_semaphore, #tpu.memory_space<semaphore_mem>>)
    }
    %scan3A_125 = arith.constant 48 : i32
    %dma_wait3A_126 = arith.constant 0 : i32
    %dma_wait3A_127 = arith.constant 0 : i32
    %dma_wait3A_128 = tpu.memref_slice %arg6[%dma_wait3A_126, %dma_wait3A_127] : memref<256x128xf32, #tpu.memory_space<vmem>> -> memref<128x128xf32, #tpu.memory_space<vmem>>
    %dma_wait3A_129 = arith.constant 25088 : i32
    %dma_wait3A_130 = tpu.memref_slice %arg5[%dma_wait3A_129] : memref<25600xi32, #tpu.memory_space<vmem>> -> memref<128xi32, #tpu.memory_space<vmem>>
    %dma_wait3A_131 = arith.constant 0 : i32
    %dma_wait3A_132 = arith.constant 0 : i32
    %dma_wait3A_133 = tpu.memref_slice %arg2[%dma_wait3A_131, %dma_wait3A_132] : memref<100000x128xf32, #tpu.memory_space<hbm>> -> memref<100000x128xf32, #tpu.memory_space<hbm>>
    tpu.wait_indirect_dma semaphore(%arg8 : memref<!tpu.dma_semaphore, #tpu.memory_space<semaphore_mem>>) src(%dma_wait3A_133 : memref<100000x128xf32, #tpu.memory_space<hbm>>) dst(%dma_wait3A_128 : memref<128x128xf32, #tpu.memory_space<vmem>>)
    %dma_wait3A_134 = arith.constant 128 : i32
    %dma_wait3A_135 = arith.constant 0 : i32
    %dma_wait3A_136 = tpu.memref_slice %arg6[%dma_wait3A_134, %dma_wait3A_135] : memref<256x128xf32, #tpu.memory_space<vmem>> -> memref<128x128xf32, #tpu.memory_space<vmem>>
    %dma_wait3A_137 = arith.constant 25216 : i32
    %dma_wait3A_138 = tpu.memref_slice %arg5[%dma_wait3A_137] : memref<25600xi32, #tpu.memory_space<vmem>> -> memref<128xi32, #tpu.memory_space<vmem>>
    %dma_wait3A_139 = arith.constant 0 : i32
    %dma_wait3A_140 = arith.constant 0 : i32
    %dma_wait3A_141 = tpu.memref_slice %arg2[%dma_wait3A_139, %dma_wait3A_140] : memref<100000x128xf32, #tpu.memory_space<hbm>> -> memref<100000x128xf32, #tpu.memory_space<hbm>>
    tpu.wait_indirect_dma semaphore(%arg8 : memref<!tpu.dma_semaphore, #tpu.memory_space<semaphore_mem>>) src(%dma_wait3A_141 : memref<100000x128xf32, #tpu.memory_space<hbm>>) dst(%dma_wait3A_136 : memref<128x128xf32, #tpu.memory_space<vmem>>)
    %add3A_142 = arith.constant 25088 : i32
    %add3A_143 = arith.addi %mul3A_2, %add3A_142 : i32
    %dma_start3A_144 = arith.constant 0 : i32
    %dma_start3A_145 = tpu.memref_slice %arg4[%add3A_143, %dma_start3A_144] : memref<819200x128xf32, #tpu.memory_space<hbm>> -> memref<256x128xf32, #tpu.memory_space<hbm>>
    %dma_start3A_146 = arith.constant 0 : i32
    %dma_start3A_147 = tpu.memref_slice %arg4[%add3A_143, %dma_start3A_146] : memref<819200x128xf32, #tpu.memory_space<hbm>> -> memref<256x128xf32, #tpu.memory_space<hbm>>
    tpu.enqueue_dma source(%arg6 : memref<256x128xf32, #tpu.memory_space<vmem>>) target(%dma_start3A_147 : memref<256x128xf32, #tpu.memory_space<hbm>>) target_semaphore(%arg10 : memref<!tpu.dma_semaphore, #tpu.memory_space<semaphore_mem>>)
    %add3A_148 = arith.constant 25088 : i32
    %add3A_149 = arith.addi %mul3A_2, %add3A_148 : i32
    %dma_wait3A_150 = arith.constant 0 : i32
    %dma_wait3A_151 = tpu.memref_slice %arg4[%add3A_149, %dma_wait3A_150] : memref<819200x128xf32, #tpu.memory_space<hbm>> -> memref<256x128xf32, #tpu.memory_space<hbm>>
    %dma_wait3A_152 = arith.constant 0 : i32
    %dma_wait3A_153 = tpu.memref_slice %arg4[%add3A_149, %dma_wait3A_152] : memref<819200x128xf32, #tpu.memory_space<hbm>> -> memref<256x128xf32, #tpu.memory_space<hbm>>
    tpu.wait_dma2 semaphore(%arg10 : memref<!tpu.dma_semaphore, #tpu.memory_space<semaphore_mem>>) src(%arg6 : memref<256x128xf32, #tpu.memory_space<vmem>>) dst(%dma_wait3A_153 : memref<256x128xf32, #tpu.memory_space<hbm>>)
    %dma_wait3A_154 = arith.constant 0 : i32
    %dma_wait3A_155 = arith.constant 0 : i32
    %dma_wait3A_156 = tpu.memref_slice %arg7[%dma_wait3A_154, %dma_wait3A_155] : memref<256x128xf32, #tpu.memory_space<vmem>> -> memref<128x128xf32, #tpu.memory_space<vmem>>
    %dma_wait3A_157 = arith.constant 25344 : i32
    %dma_wait3A_158 = tpu.memref_slice %arg5[%dma_wait3A_157] : memref<25600xi32, #tpu.memory_space<vmem>> -> memref<128xi32, #tpu.memory_space<vmem>>
    %dma_wait3A_159 = arith.constant 0 : i32
    %dma_wait3A_160 = arith.constant 0 : i32
    %dma_wait3A_161 = tpu.memref_slice %arg2[%dma_wait3A_159, %dma_wait3A_160] : memref<100000x128xf32, #tpu.memory_space<hbm>> -> memref<100000x128xf32, #tpu.memory_space<hbm>>
    tpu.wait_indirect_dma semaphore(%arg9 : memref<!tpu.dma_semaphore, #tpu.memory_space<semaphore_mem>>) src(%dma_wait3A_161 : memref<100000x128xf32, #tpu.memory_space<hbm>>) dst(%dma_wait3A_156 : memref<128x128xf32, #tpu.memory_space<vmem>>)
    %dma_wait3A_162 = arith.constant 128 : i32
    %dma_wait3A_163 = arith.constant 0 : i32
    %dma_wait3A_164 = tpu.memref_slice %arg7[%dma_wait3A_162, %dma_wait3A_163] : memref<256x128xf32, #tpu.memory_space<vmem>> -> memref<128x128xf32, #tpu.memory_space<vmem>>
    %dma_wait3A_165 = arith.constant 25472 : i32
    %dma_wait3A_166 = tpu.memref_slice %arg5[%dma_wait3A_165] : memref<25600xi32, #tpu.memory_space<vmem>> -> memref<128xi32, #tpu.memory_space<vmem>>
    %dma_wait3A_167 = arith.constant 0 : i32
    %dma_wait3A_168 = arith.constant 0 : i32
    %dma_wait3A_169 = tpu.memref_slice %arg2[%dma_wait3A_167, %dma_wait3A_168] : memref<100000x128xf32, #tpu.memory_space<hbm>> -> memref<100000x128xf32, #tpu.memory_space<hbm>>
    tpu.wait_indirect_dma semaphore(%arg9 : memref<!tpu.dma_semaphore, #tpu.memory_space<semaphore_mem>>) src(%dma_wait3A_169 : memref<100000x128xf32, #tpu.memory_space<hbm>>) dst(%dma_wait3A_164 : memref<128x128xf32, #tpu.memory_space<vmem>>)
    %add3A_170 = arith.constant 25344 : i32
    %add3A_171 = arith.addi %mul3A_2, %add3A_170 : i32
    %dma_start3A_172 = arith.constant 0 : i32
    %dma_start3A_173 = tpu.memref_slice %arg4[%add3A_171, %dma_start3A_172] : memref<819200x128xf32, #tpu.memory_space<hbm>> -> memref<256x128xf32, #tpu.memory_space<hbm>>
    %dma_start3A_174 = arith.constant 0 : i32
    %dma_start3A_175 = tpu.memref_slice %arg4[%add3A_171, %dma_start3A_174] : memref<819200x128xf32, #tpu.memory_space<hbm>> -> memref<256x128xf32, #tpu.memory_space<hbm>>
    tpu.enqueue_dma source(%arg7 : memref<256x128xf32, #tpu.memory_space<vmem>>) target(%dma_start3A_175 : memref<256x128xf32, #tpu.memory_space<hbm>>) target_semaphore(%arg11 : memref<!tpu.dma_semaphore, #tpu.memory_space<semaphore_mem>>)
    %add3A_176 = arith.constant 25344 : i32
    %add3A_177 = arith.addi %mul3A_2, %add3A_176 : i32
    %dma_wait3A_178 = arith.constant 0 : i32
    %dma_wait3A_179 = tpu.memref_slice %arg4[%add3A_177, %dma_wait3A_178] : memref<819200x128xf32, #tpu.memory_space<hbm>> -> memref<256x128xf32, #tpu.memory_space<hbm>>
    %dma_wait3A_180 = arith.constant 0 : i32
    %dma_wait3A_181 = tpu.memref_slice %arg4[%add3A_177, %dma_wait3A_180] : memref<819200x128xf32, #tpu.memory_space<hbm>> -> memref<256x128xf32, #tpu.memory_space<hbm>>
    tpu.wait_dma2 semaphore(%arg11 : memref<!tpu.dma_semaphore, #tpu.memory_space<semaphore_mem>>) src(%arg7 : memref<256x128xf32, #tpu.memory_space<vmem>>) dst(%dma_wait3A_181 : memref<256x128xf32, #tpu.memory_space<hbm>>)
    return
  }
}

</mosaic_0001>

<sc_bundles>
// kernel: kernel.3.cloned.1.call-start
scs
__scs_entry_jumppad:
0x0: {  	(pc) =	sbr.rel $0x88, $3  }
0x1: {  	(tag) =	ssettag $0x0;
	lr =	simm.s32 $0x1  }
0x2: {  	[smem:$0x3F9F] =	sst lr;
	_ =	strace $0xD0000000  }
0x3: {  	_ = 	snop  }
0x4: {  	_ = 	snop  }
0x5: {  	_ = 	snop  }
0x6: {  	_ = 	snop  }
0x7: {  	_ = 	snop  }
__scs_overlays_trampoline_lowered:
0x8: {  	[smem:$0x3FAE] =	sst s0  }
0x9: {  	[smem:$0x3FAF] =	sst s1  }
0xa: {  	[smem:$0x3FB0] =	sst s2  }
0xb: {  	[smem:$0x3FB1] =	sst s3  }
0xc: {  	[smem:$0x3FB2] =	sst s4  }
0xd: {  	[smem:$0x3FB3] =	sst s5  }
0xe: {  	[smem:$0x3FB4] =	sst s6  }
0xf: {  	[smem:$0x3FB5] =	sst s7  }
0x10: {  	[smem:$0x3FB6] =	sst s8  }
0x11: {  	[smem:$0x3FB7] =	sst s9;
	s0 =	simm.s32 @!p0 $0x0  }
0x12: {  	s1 =	sld [smem:$0x3F9D];
	s0 =	simm.s32 @p0 $0x1  }
0x13: {  	[smem:$0x3FB8] =	sst s0;
	s0 =	simm.s32 @!p1 $0x0  }
0x14: {  	s2 =	sld [smem:$0x3F9C];
	s0 =	simm.s32 @p1 $0x1  }
0x15: {  	[smem:$0x3FB9] =	sst s0;
	s0 =	simm.s32 @!p2 $0x0  }
0x16: {  	s3 =	sld [smem:$0x3FDB];
	s0 =	simm.s32 @p2 $0x1  }
0x17: {  	s4 =	simm.s32 $0x1BF5;
	[smem:$0x3FBB] =	sst s0  }
0x18: {  	s0 =	sld [smem:$0x3F9E];
	_ =	swait.ge [sflag:s4], $0x0  }
0x19: {  	s7 =	sld [smem:$0x3F9F]  }
0x1a: {  	s8 =	sadd.s32 $0xFFFFE003, lr  }
0x1b: {  	s9 =	sadd.s32 $0xFFFFFEF7, lr;
	s5 =	simm.s32 $0xFFFFFFFF;
	p2 =	slt.u32 s8, $0xFFFFF086  }
0x1c: {  	p1 =	slt.u32 s9, $0xF7A;
	s5 =	simm.s32 @!p2 $0x0  }
0x1d: {  	s5 =	simm.s32 @p1 $0x1;
	p0 =	seq.s32 s7, s2  }
0x1e: {  	s7 =	smul.u32 @!p0 $0xF7A, s2;
	p2 =	seq.s32 @!p0 s5, $0x0  }
0x1f: {  	s9 =	smul.u32 $0xF7A, s1;
	s8 =	simm.s32 @!p0 $0x1BF5;
	p2 =	por !p2, p0  }
0x20: {  	[sflag:s8] =	ssyncset.s32 @!p0 $0xFFFFF086;
	s6 =	sadd.s32 @!p0 s3, s7;
	s7 =	simm.s32 @!p0 $0x108  }
0x21: {  	s3 =	sadd.s32 s3, s9;
	s6 =	sadd.s32 @!p0 $0x88, s6;
	s7 =	simm.s32 @p2 $0x1082  }
0x22: {  	[simem:s7], [sflag:s8] =	dma.local @!p0 [hbm:s6], $0xF7A  }
0x23: {  	s9 =	sor.u32 $0xD0000000, s2;
	s6 =	simm.s32 $0x108;
	_ =	swait.ge @!p0 [sflag:s8], $0x0  }
0x24: {  	s3 =	sadd.s32 $0x88, s3;
	s6 =	simm.s32 @!p1 $0x1082;
	[sflag:s4] =	ssyncset.s32 $0xFFFFF086  }
0x25: {  	[simem:s6], [sflag:s4] =	dma.local [hbm:s3], $0xF7A  }
0x26: {  	[smem:$0x3F9F] =	sst s1;
	(tag) =	ssettag s2;
	_ =	strace s9  }
0x27: {  	s1 =	sld [smem:$0x3FAF]  }
0x28: {  	s2 =	sld [smem:$0x3FB0]  }
0x29: {  	s4 =	sld [smem:$0x3FB2]  }
0x2a: {  	p0 =	seq.s32 s5, $0x0;
	s5 =	sld [smem:$0x3FB3]  }
0x2b: {  	s6 =	sld [smem:$0x3FB4]  }
0x2c: {  	s7 =	sld [smem:$0x3FB5]  }
0x2d: {  	s3 =	simm.s32 $0x108;
	s8 =	sld [smem:$0x3FB6]  }
0x2e: {  	s3 =	simm.s32 @!p0 $0x1082;
	s9 =	sld [smem:$0x3FB7]  }
0x2f: {  	lr =	sadd.s32 s0, s3;
	s0 =	sld [smem:$0x3FAE]  }
0x30: {  	s3 =	sld [smem:$0x3FB1]  }
0x31: {  	[smem:$0x3FBA] =	sst s10  }
0x32: {  	s10 =	sld [smem:$0x3FB8];
	_ =	sdelay $0x3  }
0x33: {  	p0 =	seq.s32 s10, $0x1;
	s10 =	sld [smem:$0x3FBA];
	_ =	sdelay $0x3  }
0x34: {  	[smem:$0x3FBA] =	sst s10  }
0x35: {  	s10 =	sld [smem:$0x3FB9];
	_ =	sdelay $0x3  }
0x36: {  	p1 =	seq.s32 s10, $0x1;
	s10 =	sld [smem:$0x3FBA];
	_ =	sdelay $0x3  }
0x37: {  	[smem:$0x3FBA] =	sst s10  }
0x38: {  	s10 =	sld [smem:$0x3FBB]  }
0x39: {  	_ = 	snop;
	(pc) =	sbr.ind lr, $3  }
0x3a: {  	_ = 	snop  }
0x3b: {  	_ = 	snop  }
0x3c: {  	p2 =	seq.s32 s10, $0x1;
	s10 =	sld [smem:$0x3FBA]  }
0x3d: {  	_ =	shalt  }
0x3e: {  	_ =	shalt  }
0x3f: {  	_ =	shalt  }
0x40: {  	_ =	shalt  }
0x41: {  	_ =	shalt  }
0x42: {  	_ =	shalt  }
0x43: {  	_ =	shalt  }
0x44: {  	_ =	shalt  }
0x45: {  	_ =	shalt  }
0x46: {  	_ =	shalt  }
0x47: {  	_ =	shalt  }
0x48: {  	_ =	shalt  }
0x49: {  	_ =	shalt  }
0x4a: {  	_ =	shalt  }
0x4b: {  	_ =	shalt  }
0x4c: {  	_ =	shalt  }
0x4d: {  	_ =	shalt  }
0x4e: {  	_ =	shalt  }
0x4f: {  	_ =	shalt  }
0x50: {  	_ =	shalt  }
0x51: {  	_ =	shalt  }
0x52: {  	_ =	shalt  }
0x53: {  	_ =	shalt  }
0x54: {  	_ =	shalt  }
0x55: {  	_ =	shalt  }
0x56: {  	_ =	shalt  }
0x57: {  	_ =	shalt  }
0x58: {  	_ =	shalt  }
0x59: {  	_ =	shalt  }
0x5a: {  	_ =	shalt  }
0x5b: {  	_ =	shalt  }
0x5c: {  	_ =	shalt  }
0x5d: {  	_ =	shalt  }
0x5e: {  	_ =	shalt  }
0x5f: {  	_ =	shalt  }
0x60: {  	_ =	shalt  }
0x61: {  	_ =	shalt  }
0x62: {  	_ =	shalt  }
0x63: {  	_ =	shalt  }
0x64: {  	_ =	shalt  }
0x65: {  	_ =	shalt  }
0x66: {  	_ =	shalt  }
0x67: {  	_ =	shalt  }
0x68: {  	_ =	shalt  }
0x69: {  	_ =	shalt  }
0x6a: {  	_ =	shalt  }
0x6b: {  	_ =	shalt  }
0x6c: {  	_ =	shalt  }
0x6d: {  	_ =	shalt  }
0x6e: {  	_ =	shalt  }
0x6f: {  	_ =	shalt  }
0x70: {  	_ =	shalt  }
0x71: {  	_ =	shalt  }
0x72: {  	_ =	shalt  }
0x73: {  	_ =	shalt  }
0x74: {  	_ =	shalt  }
0x75: {  	_ =	shalt  }
0x76: {  	_ =	shalt  }
0x77: {  	_ =	shalt  }
0x78: {  	_ =	shalt  }
0x79: {  	_ =	shalt  }
0x7a: {  	_ =	shalt  }
0x7b: {  	_ =	shalt  }
0x7c: {  	_ =	shalt  }
0x7d: {  	_ =	shalt  }
0x7e: {  	_ =	shalt  }
0x7f: {  	_ =	shalt  }
0x80: {  	_ =	shalt  }
0x81: {  	_ =	shalt  }
0x82: {  	_ =	shalt  }
0x83: {  	_ =	shalt  }
0x84: {  	_ =	shalt  }
0x85: {  	_ =	shalt  }
0x86: {  	_ =	shalt  }
0x87: {  	_ =	shalt  }
.Lfunc_end0:
.L_simem_size_0:
called_computation_lowered:
.L_overlay_start_0:
0x88: {  	s2 =	sld [smem:$0x3FD9]  }
0x89: {  	s3 =	sld [smem:$0x3FFE];
	_ =	sdelay $0x1  }
0x8a: {  	s1 =	srdreg.scid  }
0x8b: {  	s0 =	sand.u32 $0x1, s1  }
0x8c: {  	s17 =	sshll.u32 s0, $0xA;
	s2 =	sadd.s32 s3, s2  }
0x8d: {  	s2 =	sadd.s32 s2, s17  }
0x8e: {  	[smem:$0x3FC6] =	sst s2  }
0x8f: {  	_ = 	snop  }
0x90: {  	s2 =	sld [smem:$0x3FC8]  }
0x91: {  	s18 =	sld [smem:$0x3FD0];
	(tm) =	ssettm $0x1  }
0x92: {  	s4 =	sld [smem:$0x3FFB];
	_ =	sdelay $0x3  }
0x93: {  	_ =	strace s4  }
0x94: {  	s4 =	sld [smem:$0x3FFC];
	_ =	sdelay $0x3  }
0x95: {  	_ =	strace s4  }
0x96: {  	s4 =	sld [smem:$0x3FFD];
	_ =	sdelay $0x3  }
0x97: {  	_ =	strace s4  }
0x98: {  	_ =	strace $0x8FFFFFFF  }
0x99: {  	s19 =	sld [smem:$0x3FDB];
	_ =	sdelay $0x1  }
0x9a: {  	s5 =	simm.s32 $_scs_section_size  }
0x9b: {  	s6 =	simm.s32 $_size__tile_overlayer_lowered;
	s7 =	simm.s32 $_tile_overlayer_lowered  }
0x9c: {  	s22 =	simm.s32 $0x1BFF;
	s21 =	sshll.u32 s7, $0x1;
	s4 =	sadd.s32 s5, s19  }
0x9d: {  	s8 =	simm.s32 $0x0;
	s20 =	sshll.u32 s6, $0x1;
	s6 =	sadd.s32 s21, s4  }
0x9e: {  	[timem:s8], [sflag:s22] =	dma.local [hbm:s6], s20  }
0x9f: {  	_ =	swait.ge [sflag:s22], s20  }
0xa0: {  	s5 =	ssub.s32 $0x0, s20;
	[sflag:s22] =	ssyncset.done $0x0  }
0xa1: {  	[sflag:s22] =	ssyncadd.s32 s5;
	_ =	sdelay $0x1  }
0xa2: {  	s23 =	simm.s32 $0x1B8B  }
0xa3: {  	_ =	swait.ge [sflag:s23], $0x1  }
0xa4: {  	[sflag:s23] =	ssyncset.done $0x0  }
0xa5: {  	s25 =	simm.s32 $0x1B8E;
	s24 =	sld [smem:$0x3FFE];
	[sflag:s23] =	ssyncadd.s32 $0xFFFFFFFF  }
0xa6: {  	s26 =	simm.s32 $execute0_lowered;
	[smem:$0x3FD2] =	sst s25  }
0xa7: {  	s6 =	sshll.u32 s26, $0x1;
	_ =	strace $0x80000046;
	[dreg:$0x1] =	wrdreg $0xFFFFFFFF  }
0xa8: {  	s28 =	simm.s32 $_size_execute0_lowered;
	s4 =	sadd.s32 s4, s6;
	[dreg:$0x0] =	wrdreg $0x0  }
0xa9: {  	s6 =	sshll.u32 s28, $0x1;
	[dreg:$0x2] =	wrdreg s4  }
0xaa: {  	[dreg:$0x3] =	wrdreg s6  }
0xab: {  	[dreg:$0x4] =	wrdreg $0xC0  }
0xac: {  	_ =	task [dreg:s8], $0x5FFFF  }
0xad: {  	[dreg:$0x1] =	wrdreg $0xFFFFFFFF  }
0xae: {  	[dreg:$0x0] =	wrdreg $0x60  }
0xaf: {  	[dreg:$0x2] =	wrdreg s2  }
0xb0: {  	[dreg:$0x3] =	wrdreg s24  }
0xb1: {  	[dreg:$0x4] =	wrdreg s18  }
0xb2: {  	[dreg:$0x5] =	wrdreg $0x9  }
0xb3: {  	_ =	task.clear_ibuf [dreg:s8], $0x6FFFF;
	_ =	strace $0x90000046  }
0xb4: {  	s29 =	simm.s32 $0x9;
	_ =	strace $0x80000048  }
0xb5: {  	_ =	swait.ge [sflag:s29], $0x1  }
0xb6: {  	[sflag:s29] =	ssyncadd.s32 $0xFFFFFFFF  }
0xb7: {  	_ =	strace $0x90000048  }
0xb8: {  	_ =	sfence  }
0xb9: {  	s30 =	sld [smem:$0x0];
	_ =	sdelay $0x2  }
0xba: {  	s31 =	sshll.u32 s1, $0xD;
	s1 =	sshrl.u32 s1, $0x2  }
0xbb: {  	s3 =	sand.u32 $0x4000, s31;
	s1 =	sadd.s32 s1, s30  }
0xbc: {  	s0 =	sor.u32 s3, s0;
	s1 =	sshll.u32 s1, $0x11  }
0xbd: {  	s0 =	sor.u32 s1, s0  }
0xbe: {  	s0 =	sadd.s32 $0x8F2B, s0  }
0xbf: {  	[sflag:s0] =	ssyncadd.remote.s32 $0x1  }
0xc0: {  	_ =	sfence.sel $0xFFFF  }
0xc1: {  	[dreg:$0x0] =	wrdreg $0xFFFFFFFF;
	(pc) =	sbr.abs _section_cstart, $3  }
0xc2: {  	[dreg:$0x1] =	wrdreg $0xFFFFFFFF  }
0xc3: {  	_ =	task.clear_ibuf [dreg:s8], $0x2FFFF;
	_ =	strace $0x9FFFFFFF  }
0xc4: {  	(tm) =	ssettm $0x7FFFFFFF  }
0xc5: {  	_ =	shalt  }
tec
execute0_lowered:
.L_overlay_start_1:
0x0: {  	(tag) =	ssettag $0x1  }
0x1: {  	s1 =	rddreg [dreg:$0x0]  }
0x2: {  	s0 =	rddreg [dreg:$0x1];
	s2 =	srdreg.scid  }
0x3: {  	s12 =	stileid.u32;
	s10 =	rddreg [dreg:$0x2];
	s3 =	simm.s32 $0x0  }
0x4: {  	s13 =	simm.s32 $0x80;
	s14 =	simm.s32 $0x6400;
	s15 =	simm.s32 $0xA400  }
0x5: {  	s17 =	simm.s32 $0xE400;
	s18 =	simm.s32 $0x180;
	s9 =	smul.u32 $0x640000, s12  }
0x6: {  	s19 =	simm.s32 $0x12400;
	s2 =	sand.u32 $0x1, s2;
	s24 =	smul.u32 $0xC8000, s12  }
0x7: {  	s28 =	simm.s32 $0x380;
	s4 =	sshll.u32 s12, $0x1;
	s21 =	smul.u32 $0x320000, s2  }
0x8: {  	s4 =	sor.u32 s2, s4;
	s7 =	ssub.s32 $0x2, s2;
	s2 =	smul.u32 $0x64000, s2  }
0x9: {  	s29 =	simm.s32 $0x0;
	[smem:$0x7FF] =	sst s3;
	s5 =	smul.u32 $0x6400, s4  }
0xa: {  	s12 =	simm.s32 $0x5;
	_ =	strace $0x80000047;
	s6 =	smul.u32 $0x64000, s4  }
0xb: {  	s8 =	smul.u32 $0x320000, s4;
	s20 =	sshrl.u32 s7, $0x1;
	s30 =	sadd.s32 s24, s10  }
0xc: {  	s24 =	simm.s32 $0x2;
	s11 =	ssub.s32 s7, s20;
	s23 =	sadd.s32 s21, s9  }
0xd: {  	s31 =	sadd.s32 s2, s30;
	s20 =	simm.s32 $0x1;
	s21 =	simm.s32 $0x3  }
0xe: {  	s5 =	sshrl.u32 s5, $0x3;
	s4 =	sadd.s32 s10, s6;
	s22 =	sshrl.u32 s8, $0x3  }
0xf: {  	s25 =	sor.u32 $0x10000, s23;
	s9 =	smax.u32 s11, $0x1;
	s11 =	sadd.s32 $0x3000, s31  }
0x10: {  	s23 =	simm.s32 $0x280;
	s0 =	sadd.s32 s5, s0;
	s6 =	sadd.s32 $0x1000, s4  }
0x11: {  	s26 =	sshrl.u32 s25, $0x3;
	s25 =	simm.s32 $0x4;
	s5 =	sadd.s32 $0x400, s0  }
0x12: {  	s0 =	sadd.s32 s10, s22;
	s10 =	sadd.s32 s26, s10;
	s22 =	simm.s32 $0x200  }
0x13: {  	s26 =	simm.s32 $0x300;
	s7 =	sadd.s32 $0x62000, s0;
	s8 =	sadd.s32 $0x63000, s0  }
.LBB2_1:
0x14: {  	[tilespmem:s3], [sflag:$0x5] =	stream.linear.gather [hbm4b:s5+s3], $0x6400, $0x38;
	[tilespmem:$0x16400] =	vst v63  }
0x15: {  	_ =	swait.ge [sflag:s12], $0x6400  }
0x16: {  	[sflag:s12] =	ssyncset.done $0x0  }
0x17: {  	[sflag:s12] =	ssyncadd.s32 $0xFFFF9C00  }
0x18: {  	[tilespmem:s14], [sflag:$0x1] =	stream.indirect.gather [hbm4b:s1+s13], $0x80, s3, s13, $0xb8;
	[tilespmem:$0x16400] =	vst v63  }
0x19: {  	_ = 	snop  }
0x1a: {  	[tilespmem:s15], [sflag:$0x1] =	stream.indirect.gather [hbm4b:s1+s13], $0x80, s13, s13, $0xb8;
	[tilespmem:$0x16400] =	vst v63  }
0x1b: {  	s0 =	simm.s32 $0x100  }
0x1c: {  	[tilespmem:s17], [sflag:$0x2] =	stream.indirect.gather [hbm4b:s1+s13], $0x80, s0, s13, $0xb8;
	[tilespmem:$0x16400] =	vst v63  }
0x1d: {  	_ = 	snop  }
0x1e: {  	[tilespmem:s19], [sflag:$0x2] =	stream.indirect.gather [hbm4b:s1+s13], $0x80, s18, s13, $0xb8;
	[tilespmem:$0x16400] =	vst v63  }
0x1f: {  	_ =	swait.ge [sflag:s20], $0x4000  }
0x20: {  	[sflag:s20] =	ssyncset.done $0x0  }
0x21: {  	[sflag:s20] =	ssyncadd.s32 $0xFFFFC000  }
0x22: {  	_ =	swait.ge [sflag:s20], $0x4000  }
0x23: {  	[sflag:s20] =	ssyncset.done $0x0  }
0x24: {  	[sflag:s20] =	ssyncadd.s32 $0xFFFFC000  }
0x25: {  	[hbm4b:s4+s3] =	stream.linear.scatter [tilespmem:s14], [sflag:$0x3], $0x8000, $0x38;
	[tilespmem:$0x16400] =	vst v63  }
0x26: {  	_ =	swait.ge [sflag:s21], $0x8000  }
0x27: {  	[sflag:s21] =	ssyncset.done $0x0  }
0x28: {  	[sflag:s21] =	ssyncadd.s32 $0xFFFF8000  }
0x29: {  	[tilespmem:s14], [sflag:$0x1] =	stream.indirect.gather [hbm4b:s1+s13], $0x80, s22, s13, $0xb8;
	[tilespmem:$0x16400] =	vst v63  }
0x2a: {  	_ = 	snop  }
0x2b: {  	[tilespmem:s15], [sflag:$0x1] =	stream.indirect.gather [hbm4b:s1+s13], $0x80, s23, s13, $0xb8;
	[tilespmem:$0x16400] =	vst v63  }
0x2c: {  	_ =	swait.ge [sflag:s24], $0x4000  }
0x2d: {  	[sflag:s24] =	ssyncset.done $0x0  }
0x2e: {  	[sflag:s24] =	ssyncadd.s32 $0xFFFFC000  }
0x2f: {  	_ =	swait.ge [sflag:s24], $0x4000  }
0x30: {  	[sflag:s24] =	ssyncset.done $0x0  }
0x31: {  	[sflag:s24] =	ssyncadd.s32 $0xFFFFC000  }
0x32: {  	[hbm4b:s6+s3] =	stream.linear.scatter [tilespmem:s17], [sflag:$0x4], $0x8000, $0x38;
	[tilespmem:$0x16400] =	vst v63  }
0x33: {  	_ =	swait.ge [sflag:s25], $0x8000  }
0x34: {  	[sflag:s25] =	ssyncset.done $0x0  }
0x35: {  	[sflag:s25] =	ssyncadd.s32 $0xFFFF8000  }
0x36: {  	[tilespmem:s17], [sflag:$0x2] =	stream.indirect.gather [hbm4b:s1+s13], $0x80, s26, s13, $0xb8;
	[tilespmem:$0x16400] =	vst v63  }
0x37: {  	_ = 	snop  }
0x38: {  	[tilespmem:s19], [sflag:$0x2] =	stream.indirect.gather [hbm4b:s1+s13], $0x80, s28, s13, $0xb8;
	[tilespmem:$0x16400] =	vst v63  }
0x39: {  	_ =	swait.ge [sflag:s20], $0x4000  }
0x3a: {  	[sflag:s20] =	ssyncset.done $0x0  }
0x3b: {  	[sflag:s20] =	ssyncadd.s32 $0xFFFFC000  }
0x3c: {  	_ =	swait.ge [sflag:s20], $0x4000  }
0x3d: {  	[sflag:s20] =	ssyncset.done $0x0  }
0x3e: {  	[sflag:s20] =	ssyncadd.s32 $0xFFFFC000  }
0x3f: {  	[hbm4b:s10+s3] =	stream.linear.scatter [tilespmem:s14], [sflag:$0x3], $0x8000, $0x38;
	[tilespmem:$0x16400] =	vst v63  }
0x40: {  	_ =	swait.ge [sflag:s21], $0x8000  }
0x41: {  	[sflag:s21] =	ssyncset.done $0x0  }
0x42: {  	s16 =	simm.s32 $0x400;
	[sflag:s21] =	ssyncadd.s32 $0xFFFF8000  }
0x43: {  	[tilespmem:s14], [sflag:$0x1] =	stream.indirect.gather [hbm4b:s1+s13], $0x80, s16, s13, $0xb8;
	[tilespmem:$0x16400] =	vst v63  }
0x44: {  	s2 =	simm.s32 $0x480  }
0x45: {  	[tilespmem:s15], [sflag:$0x1] =	stream.indirect.gather [hbm4b:s1+s13], $0x80, s2, s13, $0xb8;
	[tilespmem:$0x16400] =	vst v63  }
0x46: {  	_ =	swait.ge [sflag:s24], $0x4000  }
0x47: {  	[sflag:s24] =	ssyncset.done $0x0  }
0x48: {  	[sflag:s24] =	ssyncadd.s32 $0xFFFFC000  }
0x49: {  	_ =	swait.ge [sflag:s24], $0x4000  }
0x4a: {  	[sflag:s24] =	ssyncset.done $0x0  }
0x4b: {  	[sflag:s24] =	ssyncadd.s32 $0xFFFFC000  }
0x4c: {  	[hbm4b:s11+s3] =	stream.linear.scatter [tilespmem:s17], [sflag:$0x4], $0x8000, $0x38;
	[tilespmem:$0x16400] =	vst v63  }
0x4d: {  	s30 =	simm.s32 $0x800;
	_ =	swait.ge [sflag:s25], $0x8000  }
0x4e: {  	s31 =	sadd.s32 $0x2000, s10;
	s0 =	simm.s32 $0x580;
	[sflag:s25] =	ssyncset.done $0x0  }
0x4f: {  	s16 =	simm.s32 $0x500;
	s2 =	sadd.s32 $0x2000, s11;
	[sflag:s25] =	ssyncadd.s32 $0xFFFF8000  }
0x50: {  	[tilespmem:s17], [sflag:$0x2] =	stream.indirect.gather [hbm4b:s1+s13], $0x80, s16, s13, $0xb8;
	[tilespmem:$0x16400] =	vst v63  }
.LBB2_2:
0x51: {  	[tilespmem:s19], [sflag:$0x2] =	stream.indirect.gather [hbm4b:s1+s13], $0x80, s0, s13, $0xb8;
	[tilespmem:$0x16400] =	vst v63  }
0x52: {  	s0 =	smov.u32 s30  }
0x53: {  	p0 =	sne.s32 s30, $0x17800;
	s30 =	sadd.s32 $0x800, s30;
	_ =	swait.ge [sflag:s20], $0x4000  }
0x54: {  	[sflag:s20] =	ssyncset.done $0x0  }
0x55: {  	[sflag:s20] =	ssyncadd.s32 $0xFFFFC000  }
0x56: {  	_ =	swait.ge [sflag:s20], $0x4000  }
0x57: {  	[sflag:s20] =	ssyncset.done $0x0  }
0x58: {  	[sflag:s20] =	ssyncadd.s32 $0xFFFFC000  }
0x59: {  	[hbm4b:s31+s3] =	stream.linear.scatter [tilespmem:s14], [sflag:$0x3], $0x8000, $0x38;
	[tilespmem:$0x16400] =	vst v63  }
0x5a: {  	_ =	swait.ge [sflag:s21], $0x8000  }
0x5b: {  	s0 =	sshra.s32 s0, $0x2;
	[sflag:s21] =	ssyncset.done $0x0  }
0x5c: {  	s16 =	sadd.s32 $0x400, s0;
	[sflag:s21] =	ssyncadd.s32 $0xFFFF8000  }
0x5d: {  	[tilespmem:s14], [sflag:$0x1] =	stream.indirect.gather [hbm4b:s1+s13], $0x80, s16, s13, $0xb8;
	[tilespmem:$0x16400] =	vst v63  }
0x5e: {  	s16 =	sadd.s32 $0x480, s0  }
0x5f: {  	[tilespmem:s15], [sflag:$0x1] =	stream.indirect.gather [hbm4b:s1+s13], $0x80, s16, s13, $0xb8;
	[tilespmem:$0x16400] =	vst v63  }
0x60: {  	_ =	swait.ge [sflag:s24], $0x4000  }
0x61: {  	[sflag:s24] =	ssyncset.done $0x0  }
0x62: {  	[sflag:s24] =	ssyncadd.s32 $0xFFFFC000  }
0x63: {  	_ =	swait.ge [sflag:s24], $0x4000  }
0x64: {  	[sflag:s24] =	ssyncset.done $0x0  }
0x65: {  	[sflag:s24] =	ssyncadd.s32 $0xFFFFC000  }
0x66: {  	[hbm4b:s2+s3] =	stream.linear.scatter [tilespmem:s17], [sflag:$0x4], $0x8000, $0x38;
	[tilespmem:$0x16400] =	vst v63  }
.Ltmp0:
0x67: {  	_ =	swait.ge [sflag:s25], $0x8000;
	(pc) =	sbr.rel @p0 .LBB2_2-.Ltmp0, $4  }
0x68: {  	[sflag:s25] =	ssyncset.done $0x0  }
0x69: {  	s16 =	sadd.s32 $0x500, s0;
	[sflag:s25] =	ssyncadd.s32 $0xFFFF8000  }
0x6a: {  	[tilespmem:s17], [sflag:$0x2] =	stream.indirect.gather [hbm4b:s1+s13], $0x80, s16, s13, $0xb8;
	[tilespmem:$0x16400] =	vst v63  }
0x6b: {  	s31 =	sadd.s32 $0x2000, s31;
	s0 =	sadd.s32 $0x580, s0;
	s2 =	sadd.s32 $0x2000, s2  }
0x6c: {  	[tilespmem:s19], [sflag:$0x2] =	stream.indirect.gather [hbm4b:s1+s13], $0x80, s0, s13, $0xb8;
	[tilespmem:$0x16400] =	vst v63  }
0x6d: {  	_ =	swait.ge [sflag:s20], $0x4000  }
0x6e: {  	[sflag:s20] =	ssyncset.done $0x0  }
0x6f: {  	[sflag:s20] =	ssyncadd.s32 $0xFFFFC000  }
0x70: {  	_ =	swait.ge [sflag:s20], $0x4000  }
0x71: {  	[sflag:s20] =	ssyncset.done $0x0  }
0x72: {  	[sflag:s20] =	ssyncadd.s32 $0xFFFFC000  }
0x73: {  	[hbm4b:s7+s3] =	stream.linear.scatter [tilespmem:s14], [sflag:$0x3], $0x8000, $0x38;
	[tilespmem:$0x16400] =	vst v63  }
0x74: {  	_ =	swait.ge [sflag:s21], $0x8000  }
0x75: {  	[sflag:s21] =	ssyncset.done $0x0  }
0x76: {  	[sflag:s21] =	ssyncadd.s32 $0xFFFF8000  }
0x77: {  	_ =	swait.ge [sflag:s24], $0x4000  }
0x78: {  	[sflag:s24] =	ssyncset.done $0x0  }
0x79: {  	[sflag:s24] =	ssyncadd.s32 $0xFFFFC000  }
0x7a: {  	s29 =	sadd.s32 $0x1, s29;
	_ =	swait.ge [sflag:s24], $0x4000  }
0x7b: {  	p0 =	sne.s32 s29, s9;
	[sflag:s24] =	ssyncset.done $0x0  }
.Ltmp1:
0x7c: {  	[sflag:s24] =	ssyncadd.s32 $0xFFFFC000;
	(pc) =	sbr.rel @p0 .LBB2_1-.Ltmp1, $4  }
0x7d: {  	[hbm4b:s8+s3] =	stream.linear.scatter [tilespmem:s17], [sflag:$0x4], $0x8000, $0x38;
	[tilespmem:$0x16400] =	vst v63  }
0x7e: {  	_ =	swait.ge [sflag:s25], $0x8000  }
0x7f: {  	[sflag:s25] =	ssyncset.done $0x0  }
0x80: {  	[sflag:s25] =	ssyncadd.s32 $0xFFFF8000  }
0x81: {  	_ =	sfence.sel $0x180000  }
0x82: {  	[bflag:$0x0] =	sbarrier.arrive $0xFFFF  }
0x83: {  	_ =	strace $0x90000047  }
0x84: {  	s0 =	stileid.u32;
	[bflag:$0x2] =	sbarrier.arrive $0xFFFF  }
0x85: {  	p0 =	sne.s32 s0, $0x0;
	s0 =	rddreg [dreg:$0x3]  }
0x86: {  	s0 =	sadd.s32 @!p0 $0x100000, s0  }
0x87: {  	[sflag:s0] =	ssyncadd.tile.s32 @!p0 $0x1;
	_ =	shalt  }
.Lfunc_end2:
_tile_overlayer_lowered:
.L_overlay_start_2:
0x88: {  	(tag) =	ssettag $0x2  }
0x89: {  	s0 =	rddreg [dreg:$0x0];
	s2 =	stileid.u32  }
0x8a: {  	s1 =	rddreg [dreg:$0x1];
	p0 =	sne.s32 s2, $0x0  }
0x8b: {  	s3 =	rddreg [dreg:$0x2];
	[bflag:$0x3] =	sbarrier.arrive $0xFFFF;
	s2 =	simm.s32 @!p0 $0x1C05  }
0x8c: {  	[timem:s3], [sflag:s2] =	dma.local @!p0 [hbm:s0], s1  }
0x8d: {  	s0 =	simm.s32 @!p0 $0x5  }
0x8e: {  	_ =	swait.ge @!p0 [sflag:s0], s1  }
0x8f: {  	s1 =	ssub.s32 @!p0 $0x0, s1;
	[sflag:s0] =	ssyncset.done @!p0 $0x0  }
0x90: {  	[sflag:s0] =	ssyncadd.s32 @!p0 s1  }
0x91: {  	[bflag:$0x3] =	sbarrier.arrive $0xFFFF  }
0x92: {  	_ =	shalt  }

</sc_bundles>
